<compile_context>
chip_gen: v7x
topology: tpu7x:2x2x1
jax: 0.10.2.dev20260603
libtpu: 0.0.44.dev20260713+nightly
codegen_flags: <defaults>
</compile_context>

<pallas_src>
import functools

import jax
import jax.numpy as jnp
from jax import lax
from jax.experimental import pallas as pl
from jax.experimental.pallas import tpu as pltpu
from jax.experimental.pallas import tpu_sc as plsc

_B = 4096
_D = 128
_BLK = 2048
_LOG2E = 1.4426950408889634


def _sc_gather(user_id, product_id, user_table, product_table):
    info = plsc.get_sparse_core_info()
    nw = info.num_cores * info.num_subcores
    bpw = _B // nw
    mesh = plsc.VectorSubcoreMesh(core_axis_name="c", subcore_axis_name="s")
    half = bpw // 2

    @functools.partial(
        pl.kernel,
        out_type=(
            jax.ShapeDtypeStruct((_B, _D), jnp.float32),
            jax.ShapeDtypeStruct((_B, _D), jnp.float32),
        ),
        mesh=mesh,
        scratch_types=(
            pltpu.VMEM((bpw,), jnp.int32),
            pltpu.VMEM((bpw, _D), jnp.float32),
            pltpu.VMEM((bpw,), jnp.int32),
            pltpu.VMEM((bpw, _D), jnp.float32),
            pltpu.SemaphoreType.DMA,
            pltpu.SemaphoreType.DMA,
            pltpu.SemaphoreType.DMA,
            pltpu.SemaphoreType.DMA,
        ),
    )
    def gather(uid_hbm, pid_hbm, utab_hbm, ptab_hbm, uout_hbm, pout_hbm,
               uidx, urows, pidx, prows, usem, psem, s1, s2):
        wid = lax.axis_index("s") * info.num_cores + lax.axis_index("c")
        base = wid * bpw
        ci = pltpu.async_copy(pid_hbm.at[pl.ds(base, bpw)], pidx, s1)
        cj = pltpu.async_copy(uid_hbm.at[pl.ds(base, bpw)], uidx, s2)
        ci.wait()
        cp0 = pltpu.async_copy(ptab_hbm.at[pidx.at[pl.ds(0, half)]],
                               prows.at[pl.ds(0, half)], psem)
        cp1 = pltpu.async_copy(ptab_hbm.at[pidx.at[pl.ds(half, half)]],
                               prows.at[pl.ds(half, half)], psem)
        cj.wait()
        cu0 = pltpu.async_copy(utab_hbm.at[uidx.at[pl.ds(0, half)]],
                               urows.at[pl.ds(0, half)], usem)
        cu1 = pltpu.async_copy(utab_hbm.at[uidx.at[pl.ds(half, half)]],
                               urows.at[pl.ds(half, half)], usem)
        cp0.wait()
        sp0 = pltpu.async_copy(prows.at[pl.ds(0, half)],
                               pout_hbm.at[pl.ds(base, half)], s1)
        cp1.wait()
        sp1 = pltpu.async_copy(prows.at[pl.ds(half, half)],
                               pout_hbm.at[pl.ds(base + half, half)], s2)
        cu0.wait()
        su0 = pltpu.async_copy(urows.at[pl.ds(0, half)],
                               uout_hbm.at[pl.ds(base, half)], s1)
        cu1.wait()
        su1 = pltpu.async_copy(urows.at[pl.ds(half, half)],
                               uout_hbm.at[pl.ds(base + half, half)], s2)
        sp0.wait()
        sp1.wait()
        su0.wait()
        su1.wait()

    return gather(user_id, product_id, user_table, product_table)


def _loss_body(u_ref, pall_ref, acc_ref):
    i = pl.program_id(0)
    l2t = lax.dot_general(
        pall_ref[...].astype(jnp.bfloat16),
        (u_ref[...] * _LOG2E).astype(jnp.bfloat16),
        (((1,), (1,)), ((), ())),
        preferred_element_type=jnp.float32,
    )
    s = jnp.sum(jnp.exp2(l2t), axis=0)
    pdiag = pall_ref[pl.ds(i * _BLK, _BLK), :]
    part = jnp.sum(jnp.log(s)) - jnp.sum(u_ref[...] * pdiag)

    @pl.when(i == 0)
    def _init():
        acc_ref[0, 0] = jnp.float32(0.0)

    acc_ref[0, 0] += part


def _tc_loss(u_emb, p_emb):
    out = pl.pallas_call(
        _loss_body,
        grid=(_B // _BLK,),
        in_specs=[
            pl.BlockSpec((_BLK, _D), lambda i: (i, 0)),
            pl.BlockSpec((_B, _D), lambda i: (0, 0)),
        ],
        out_specs=pl.BlockSpec(memory_space=pltpu.SMEM),
        out_shape=jax.ShapeDtypeStruct((1, 1), jnp.float32),
    )(u_emb, p_emb)
    return out[0, 0]


def kernel(user_id, product_id, user_table, product_table):
    u_emb, p_emb = _sc_gather(user_id, product_id, user_table, product_table)
    return _tc_loss(u_emb, p_emb)

# --- scband reference (transcript-rebuilt; emitter-appended) ---
"""Pipeline reference for scband-product-recommender-77653008712030 (READ-ONLY COPY).

The authoritative reference and input builder live on the scoring server;
editing this copy changes nothing except your own understanding.
"""

import jax, jax.numpy as jnp
import numpy as np

NUM_USERS = 100000
NUM_PRODUCTS = 100000
EMBED_DIM = 128
BATCH = 4096


def setup_inputs(seed: int = 0) -> dict:
    key = jax.random.key(seed)
    k1, k2, k3, k4 = jax.random.split(key, 4)
    user_id = jax.random.randint(k1, (BATCH,), 0, NUM_USERS, dtype=jnp.int32)
    product_id = jax.random.randint(k2, (BATCH,), 0, NUM_PRODUCTS, dtype=jnp.int32)
    user_table = jax.random.normal(k3, (NUM_USERS, EMBED_DIM), dtype=jnp.float32) * 0.05
    product_table = jax.random.normal(k4, (NUM_PRODUCTS, EMBED_DIM), dtype=jnp.float32) * 0.05
    return {
        "user_id": user_id,
        "product_id": product_id,
        "user_table": user_table,
        "product_table": product_table,
    }


def reference(user_id, product_id, user_table, product_table):
    # Two-tower retrieval (tfrs.tasks.Retrieval semantics):
    # user/product towers are embedding lookups; the task computes in-batch
    # sampled-softmax logits = U @ P^T with diagonal positive labels and a
    # SUM-reduced categorical cross-entropy loss (tfrs default).
    user_embeddings = jnp.take(user_table, user_id, axis=0)        # [B, D]
    product_embeddings = jnp.take(product_table, product_id, axis=0)  # [B, D]
    logits = user_embeddings @ product_embeddings.T                # [B, B]
    labels = jnp.arange(logits.shape[0])
    log_z = jax.nn.logsumexp(logits, axis=1)                        # [B]
    pos_logit = jnp.take_along_axis(logits, labels[:, None], axis=1)[:, 0]
    loss = jnp.sum(log_z - pos_logit)
    return loss

if __name__ == "__main__":
    import jax
    _d = setup_inputs()
    print(jax.jit(kernel)(*tuple(_d.values())))

</pallas_src>

<mosaic_0001>
#map = affine_map<(d0, d1) -> (0)>
#map1 = affine_map<(d0, d1) -> (0, 0)>
module attributes {stable_mosaic.version = 14 : i64} {
  func.func @gather(%arg0: i32, %arg1: i32, %arg2: memref<4096xi32, #tpu.memory_space<hbm>>, %arg3: memref<4096xi32, #tpu.memory_space<hbm>>, %arg4: memref<100000x128xf32, #tpu.memory_space<hbm>>, %arg5: memref<100000x128xf32, #tpu.memory_space<hbm>>, %arg6: memref<4096x128xf32, #tpu.memory_space<hbm>>, %arg7: memref<4096x128xf32, #tpu.memory_space<hbm>>, %arg8: memref<128xi32, #tpu.memory_space<vmem>>, %arg9: memref<128x128xf32, #tpu.memory_space<vmem>>, %arg10: memref<128xi32, #tpu.memory_space<vmem>>, %arg11: memref<128x128xf32, #tpu.memory_space<vmem>>, %arg12: memref<!tpu.dma_semaphore, #tpu.memory_space<semaphore_mem>>, %arg13: memref<!tpu.dma_semaphore, #tpu.memory_space<semaphore_mem>>, %arg14: memref<!tpu.dma_semaphore, #tpu.memory_space<semaphore_mem>>, %arg15: memref<!tpu.dma_semaphore, #tpu.memory_space<semaphore_mem>>) attributes {dimension_semantics = [#tpu.dimension_semantics<core_parallel>, #tpu.dimension_semantics<subcore_parallel>], iteration_bounds = array<i64: 2, 16>, scalar_prefetch = 0 : i64, scratch_operands = 8 : i64, tpu.core_type = #tpu.core_type<sc_vector_subcore>, window_params = [{transform_indices = #map}, {transform_indices = #map}, {transform_indices = #map1}, {transform_indices = #map1}, {transform_indices = #map1}, {transform_indices = #map1}]} {
    %mul3A = arith.constant 2 : i32
    %mul3A_0 = arith.muli %arg1, %mul3A : i32
    %add3A = arith.addi %mul3A_0, %arg0 : i32
    %mul3A_1 = arith.constant 128 : i32
    %mul3A_2 = arith.muli %add3A, %mul3A_1 : i32
    %dma_start3A = tpu.memref_slice %arg3[%mul3A_2] : memref<4096xi32, #tpu.memory_space<hbm>> -> memref<128xi32, #tpu.memory_space<hbm>>
    %dma_start3A_3 = tpu.memref_slice %arg3[%mul3A_2] : memref<4096xi32, #tpu.memory_space<hbm>> -> memref<128xi32, #tpu.memory_space<hbm>>
    tpu.enqueue_dma source(%dma_start3A_3 : memref<128xi32, #tpu.memory_space<hbm>>) target(%arg10 : memref<128xi32, #tpu.memory_space<vmem>>) target_semaphore(%arg14 : memref<!tpu.dma_semaphore, #tpu.memory_space<semaphore_mem>>)
    %dma_start3A_4 = tpu.memref_slice %arg2[%mul3A_2] : memref<4096xi32, #tpu.memory_space<hbm>> -> memref<128xi32, #tpu.memory_space<hbm>>
    %dma_start3A_5 = tpu.memref_slice %arg2[%mul3A_2] : memref<4096xi32, #tpu.memory_space<hbm>> -> memref<128xi32, #tpu.memory_space<hbm>>
    tpu.enqueue_dma source(%dma_start3A_5 : memref<128xi32, #tpu.memory_space<hbm>>) target(%arg8 : memref<128xi32, #tpu.memory_space<vmem>>) target_semaphore(%arg15 : memref<!tpu.dma_semaphore, #tpu.memory_space<semaphore_mem>>)
    %dma_wait3A = tpu.memref_slice %arg3[%mul3A_2] : memref<4096xi32, #tpu.memory_space<hbm>> -> memref<128xi32, #tpu.memory_space<hbm>>
    %dma_wait3A_6 = tpu.memref_slice %arg3[%mul3A_2] : memref<4096xi32, #tpu.memory_space<hbm>> -> memref<128xi32, #tpu.memory_space<hbm>>
    tpu.wait_dma2 semaphore(%arg14 : memref<!tpu.dma_semaphore, #tpu.memory_space<semaphore_mem>>) src(%dma_wait3A_6 : memref<128xi32, #tpu.memory_space<hbm>>) dst(%arg10 : memref<128xi32, #tpu.memory_space<vmem>>)
    %dma_start3A_7 = arith.constant 0 : i32
    %dma_start3A_8 = arith.constant 0 : i32
    %dma_start3A_9 = tpu.memref_slice %arg11[%dma_start3A_7, %dma_start3A_8] : memref<128x128xf32, #tpu.memory_space<vmem>> -> memref<64x128xf32, #tpu.memory_space<vmem>>
    %dma_start3A_10 = arith.constant 0 : i32
    %dma_start3A_11 = tpu.memref_slice %arg10[%dma_start3A_10] : memref<128xi32, #tpu.memory_space<vmem>> -> memref<64xi32, #tpu.memory_space<vmem>>
    %dma_start3A_12 = arith.constant 0 : i32
    %dma_start3A_13 = arith.constant 0 : i32
    %dma_start3A_14 = tpu.memref_slice %arg5[%dma_start3A_12, %dma_start3A_13] : memref<100000x128xf32, #tpu.memory_space<hbm>> -> memref<100000x128xf32, #tpu.memory_space<hbm>>
    tpu.enqueue_indirect_dma source(%dma_start3A_14 : memref<100000x128xf32, #tpu.memory_space<hbm>>) target(%dma_start3A_9 : memref<64x128xf32, #tpu.memory_space<vmem>>) offsets(%dma_start3A_11 : memref<64xi32, #tpu.memory_space<vmem>>) semaphore(%arg13 : memref<!tpu.dma_semaphore, #tpu.memory_space<semaphore_mem>>)
    %dma_start3A_15 = arith.constant 64 : i32
    %dma_start3A_16 = arith.constant 0 : i32
    %dma_start3A_17 = tpu.memref_slice %arg11[%dma_start3A_15, %dma_start3A_16] : memref<128x128xf32, #tpu.memory_space<vmem>> -> memref<64x128xf32, #tpu.memory_space<vmem>>
    %dma_start3A_18 = arith.constant 64 : i32
    %dma_start3A_19 = tpu.memref_slice %arg10[%dma_start3A_18] : memref<128xi32, #tpu.memory_space<vmem>> -> memref<64xi32, #tpu.memory_space<vmem>>
    %dma_start3A_20 = arith.constant 0 : i32
    %dma_start3A_21 = arith.constant 0 : i32
    %dma_start3A_22 = tpu.memref_slice %arg5[%dma_start3A_20, %dma_start3A_21] : memref<100000x128xf32, #tpu.memory_space<hbm>> -> memref<100000x128xf32, #tpu.memory_space<hbm>>
    tpu.enqueue_indirect_dma source(%dma_start3A_22 : memref<100000x128xf32, #tpu.memory_space<hbm>>) target(%dma_start3A_17 : memref<64x128xf32, #tpu.memory_space<vmem>>) offsets(%dma_start3A_19 : memref<64xi32, #tpu.memory_space<vmem>>) semaphore(%arg13 : memref<!tpu.dma_semaphore, #tpu.memory_space<semaphore_mem>>)
    %dma_wait3A_23 = tpu.memref_slice %arg2[%mul3A_2] : memref<4096xi32, #tpu.memory_space<hbm>> -> memref<128xi32, #tpu.memory_space<hbm>>
    %dma_wait3A_24 = tpu.memref_slice %arg2[%mul3A_2] : memref<4096xi32, #tpu.memory_space<hbm>> -> memref<128xi32, #tpu.memory_space<hbm>>
    tpu.wait_dma2 semaphore(%arg15 : memref<!tpu.dma_semaphore, #tpu.memory_space<semaphore_mem>>) src(%dma_wait3A_24 : memref<128xi32, #tpu.memory_space<hbm>>) dst(%arg8 : memref<128xi32, #tpu.memory_space<vmem>>)
    %dma_start3A_25 = arith.constant 0 : i32
    %dma_start3A_26 = arith.constant 0 : i32
    %dma_start3A_27 = tpu.memref_slice %arg9[%dma_start3A_25, %dma_start3A_26] : memref<128x128xf32, #tpu.memory_space<vmem>> -> memref<64x128xf32, #tpu.memory_space<vmem>>
    %dma_start3A_28 = arith.constant 0 : i32
    %dma_start3A_29 = tpu.memref_slice %arg8[%dma_start3A_28] : memref<128xi32, #tpu.memory_space<vmem>> -> memref<64xi32, #tpu.memory_space<vmem>>
    %dma_start3A_30 = arith.constant 0 : i32
    %dma_start3A_31 = arith.constant 0 : i32
    %dma_start3A_32 = tpu.memref_slice %arg4[%dma_start3A_30, %dma_start3A_31] : memref<100000x128xf32, #tpu.memory_space<hbm>> -> memref<100000x128xf32, #tpu.memory_space<hbm>>
    tpu.enqueue_indirect_dma source(%dma_start3A_32 : memref<100000x128xf32, #tpu.memory_space<hbm>>) target(%dma_start3A_27 : memref<64x128xf32, #tpu.memory_space<vmem>>) offsets(%dma_start3A_29 : memref<64xi32, #tpu.memory_space<vmem>>) semaphore(%arg12 : memref<!tpu.dma_semaphore, #tpu.memory_space<semaphore_mem>>)
    %dma_start3A_33 = arith.constant 64 : i32
    %dma_start3A_34 = arith.constant 0 : i32
    %dma_start3A_35 = tpu.memref_slice %arg9[%dma_start3A_33, %dma_start3A_34] : memref<128x128xf32, #tpu.memory_space<vmem>> -> memref<64x128xf32, #tpu.memory_space<vmem>>
    %dma_start3A_36 = arith.constant 64 : i32
    %dma_start3A_37 = tpu.memref_slice %arg8[%dma_start3A_36] : memref<128xi32, #tpu.memory_space<vmem>> -> memref<64xi32, #tpu.memory_space<vmem>>
    %dma_start3A_38 = arith.constant 0 : i32
    %dma_start3A_39 = arith.constant 0 : i32
    %dma_start3A_40 = tpu.memref_slice %arg4[%dma_start3A_38, %dma_start3A_39] : memref<100000x128xf32, #tpu.memory_space<hbm>> -> memref<100000x128xf32, #tpu.memory_space<hbm>>
    tpu.enqueue_indirect_dma source(%dma_start3A_40 : memref<100000x128xf32, #tpu.memory_space<hbm>>) target(%dma_start3A_35 : memref<64x128xf32, #tpu.memory_space<vmem>>) offsets(%dma_start3A_37 : memref<64xi32, #tpu.memory_space<vmem>>) semaphore(%arg12 : memref<!tpu.dma_semaphore, #tpu.memory_space<semaphore_mem>>)
    %dma_wait3A_41 = arith.constant 0 : i32
    %dma_wait3A_42 = arith.constant 0 : i32
    %dma_wait3A_43 = tpu.memref_slice %arg11[%dma_wait3A_41, %dma_wait3A_42] : memref<128x128xf32, #tpu.memory_space<vmem>> -> memref<64x128xf32, #tpu.memory_space<vmem>>
    %dma_wait3A_44 = arith.constant 0 : i32
    %dma_wait3A_45 = tpu.memref_slice %arg10[%dma_wait3A_44] : memref<128xi32, #tpu.memory_space<vmem>> -> memref<64xi32, #tpu.memory_space<vmem>>
    %dma_wait3A_46 = arith.constant 0 : i32
    %dma_wait3A_47 = arith.constant 0 : i32
    %dma_wait3A_48 = tpu.memref_slice %arg5[%dma_wait3A_46, %dma_wait3A_47] : memref<100000x128xf32, #tpu.memory_space<hbm>> -> memref<100000x128xf32, #tpu.memory_space<hbm>>
    tpu.wait_indirect_dma semaphore(%arg13 : memref<!tpu.dma_semaphore, #tpu.memory_space<semaphore_mem>>) src(%dma_wait3A_48 : memref<100000x128xf32, #tpu.memory_space<hbm>>) dst(%dma_wait3A_43 : memref<64x128xf32, #tpu.memory_space<vmem>>)
    %dma_start3A_49 = arith.constant 0 : i32
    %dma_start3A_50 = arith.constant 0 : i32
    %dma_start3A_51 = tpu.memref_slice %arg11[%dma_start3A_49, %dma_start3A_50] : memref<128x128xf32, #tpu.memory_space<vmem>> -> memref<64x128xf32, #tpu.memory_space<vmem>>
    %dma_start3A_52 = arith.constant 0 : i32
    %dma_start3A_53 = tpu.memref_slice %arg7[%mul3A_2, %dma_start3A_52] : memref<4096x128xf32, #tpu.memory_space<hbm>> -> memref<64x128xf32, #tpu.memory_space<hbm>>
    %dma_start3A_54 = arith.constant 0 : i32
    %dma_start3A_55 = tpu.memref_slice %arg7[%mul3A_2, %dma_start3A_54] : memref<4096x128xf32, #tpu.memory_space<hbm>> -> memref<64x128xf32, #tpu.memory_space<hbm>>
    %dma_start3A_56 = arith.constant 0 : i32
    %dma_start3A_57 = arith.constant 0 : i32
    %dma_start3A_58 = tpu.memref_slice %arg11[%dma_start3A_56, %dma_start3A_57] : memref<128x128xf32, #tpu.memory_space<vmem>> -> memref<64x128xf32, #tpu.memory_space<vmem>>
    tpu.enqueue_dma source(%dma_start3A_58 : memref<64x128xf32, #tpu.memory_space<vmem>>) target(%dma_start3A_55 : memref<64x128xf32, #tpu.memory_space<hbm>>) target_semaphore(%arg14 : memref<!tpu.dma_semaphore, #tpu.memory_space<semaphore_mem>>)
    %dma_wait3A_59 = arith.constant 64 : i32
    %dma_wait3A_60 = arith.constant 0 : i32
    %dma_wait3A_61 = tpu.memref_slice %arg11[%dma_wait3A_59, %dma_wait3A_60] : memref<128x128xf32, #tpu.memory_space<vmem>> -> memref<64x128xf32, #tpu.memory_space<vmem>>
    %dma_wait3A_62 = arith.constant 64 : i32
    %dma_wait3A_63 = tpu.memref_slice %arg10[%dma_wait3A_62] : memref<128xi32, #tpu.memory_space<vmem>> -> memref<64xi32, #tpu.memory_space<vmem>>
    %dma_wait3A_64 = arith.constant 0 : i32
    %dma_wait3A_65 = arith.constant 0 : i32
    %dma_wait3A_66 = tpu.memref_slice %arg5[%dma_wait3A_64, %dma_wait3A_65] : memref<100000x128xf32, #tpu.memory_space<hbm>> -> memref<100000x128xf32, #tpu.memory_space<hbm>>
    tpu.wait_indirect_dma semaphore(%arg13 : memref<!tpu.dma_semaphore, #tpu.memory_space<semaphore_mem>>) src(%dma_wait3A_66 : memref<100000x128xf32, #tpu.memory_space<hbm>>) dst(%dma_wait3A_61 : memref<64x128xf32, #tpu.memory_space<vmem>>)
    %add3A_67 = arith.constant 64 : i32
    %add3A_68 = arith.addi %mul3A_2, %add3A_67 : i32
    %dma_start3A_69 = arith.constant 64 : i32
    %dma_start3A_70 = arith.constant 0 : i32
    %dma_start3A_71 = tpu.memref_slice %arg11[%dma_start3A_69, %dma_start3A_70] : memref<128x128xf32, #tpu.memory_space<vmem>> -> memref<64x128xf32, #tpu.memory_space<vmem>>
    %dma_start3A_72 = arith.constant 0 : i32
    %dma_start3A_73 = tpu.memref_slice %arg7[%add3A_68, %dma_start3A_72] : memref<4096x128xf32, #tpu.memory_space<hbm>> -> memref<64x128xf32, #tpu.memory_space<hbm>>
    %dma_start3A_74 = arith.constant 0 : i32
    %dma_start3A_75 = tpu.memref_slice %arg7[%add3A_68, %dma_start3A_74] : memref<4096x128xf32, #tpu.memory_space<hbm>> -> memref<64x128xf32, #tpu.memory_space<hbm>>
    %dma_start3A_76 = arith.constant 64 : i32
    %dma_start3A_77 = arith.constant 0 : i32
    %dma_start3A_78 = tpu.memref_slice %arg11[%dma_start3A_76, %dma_start3A_77] : memref<128x128xf32, #tpu.memory_space<vmem>> -> memref<64x128xf32, #tpu.memory_space<vmem>>
    tpu.enqueue_dma source(%dma_start3A_78 : memref<64x128xf32, #tpu.memory_space<vmem>>) target(%dma_start3A_75 : memref<64x128xf32, #tpu.memory_space<hbm>>) target_semaphore(%arg15 : memref<!tpu.dma_semaphore, #tpu.memory_space<semaphore_mem>>)
    %dma_wait3A_79 = arith.constant 0 : i32
    %dma_wait3A_80 = arith.constant 0 : i32
    %dma_wait3A_81 = tpu.memref_slice %arg9[%dma_wait3A_79, %dma_wait3A_80] : memref<128x128xf32, #tpu.memory_space<vmem>> -> memref<64x128xf32, #tpu.memory_space<vmem>>
    %dma_wait3A_82 = arith.constant 0 : i32
    %dma_wait3A_83 = tpu.memref_slice %arg8[%dma_wait3A_82] : memref<128xi32, #tpu.memory_space<vmem>> -> memref<64xi32, #tpu.memory_space<vmem>>
    %dma_wait3A_84 = arith.constant 0 : i32
    %dma_wait3A_85 = arith.constant 0 : i32
    %dma_wait3A_86 = tpu.memref_slice %arg4[%dma_wait3A_84, %dma_wait3A_85] : memref<100000x128xf32, #tpu.memory_space<hbm>> -> memref<100000x128xf32, #tpu.memory_space<hbm>>
    tpu.wait_indirect_dma semaphore(%arg12 : memref<!tpu.dma_semaphore, #tpu.memory_space<semaphore_mem>>) src(%dma_wait3A_86 : memref<100000x128xf32, #tpu.memory_space<hbm>>) dst(%dma_wait3A_81 : memref<64x128xf32, #tpu.memory_space<vmem>>)
    %dma_start3A_87 = arith.constant 0 : i32
    %dma_start3A_88 = arith.constant 0 : i32
    %dma_start3A_89 = tpu.memref_slice %arg9[%dma_start3A_87, %dma_start3A_88] : memref<128x128xf32, #tpu.memory_space<vmem>> -> memref<64x128xf32, #tpu.memory_space<vmem>>
    %dma_start3A_90 = arith.constant 0 : i32
    %dma_start3A_91 = tpu.memref_slice %arg6[%mul3A_2, %dma_start3A_90] : memref<4096x128xf32, #tpu.memory_space<hbm>> -> memref<64x128xf32, #tpu.memory_space<hbm>>
    %dma_start3A_92 = arith.constant 0 : i32
    %dma_start3A_93 = tpu.memref_slice %arg6[%mul3A_2, %dma_start3A_92] : memref<4096x128xf32, #tpu.memory_space<hbm>> -> memref<64x128xf32, #tpu.memory_space<hbm>>
    %dma_start3A_94 = arith.constant 0 : i32
    %dma_start3A_95 = arith.constant 0 : i32
    %dma_start3A_96 = tpu.memref_slice %arg9[%dma_start3A_94, %dma_start3A_95] : memref<128x128xf32, #tpu.memory_space<vmem>> -> memref<64x128xf32, #tpu.memory_space<vmem>>
    tpu.enqueue_dma source(%dma_start3A_96 : memref<64x128xf32, #tpu.memory_space<vmem>>) target(%dma_start3A_93 : memref<64x128xf32, #tpu.memory_space<hbm>>) target_semaphore(%arg14 : memref<!tpu.dma_semaphore, #tpu.memory_space<semaphore_mem>>)
    %dma_wait3A_97 = arith.constant 64 : i32
    %dma_wait3A_98 = arith.constant 0 : i32
    %dma_wait3A_99 = tpu.memref_slice %arg9[%dma_wait3A_97, %dma_wait3A_98] : memref<128x128xf32, #tpu.memory_space<vmem>> -> memref<64x128xf32, #tpu.memory_space<vmem>>
    %dma_wait3A_100 = arith.constant 64 : i32
    %dma_wait3A_101 = tpu.memref_slice %arg8[%dma_wait3A_100] : memref<128xi32, #tpu.memory_space<vmem>> -> memref<64xi32, #tpu.memory_space<vmem>>
    %dma_wait3A_102 = arith.constant 0 : i32
    %dma_wait3A_103 = arith.constant 0 : i32
    %dma_wait3A_104 = tpu.memref_slice %arg4[%dma_wait3A_102, %dma_wait3A_103] : memref<100000x128xf32, #tpu.memory_space<hbm>> -> memref<100000x128xf32, #tpu.memory_space<hbm>>
    tpu.wait_indirect_dma semaphore(%arg12 : memref<!tpu.dma_semaphore, #tpu.memory_space<semaphore_mem>>) src(%dma_wait3A_104 : memref<100000x128xf32, #tpu.memory_space<hbm>>) dst(%dma_wait3A_99 : memref<64x128xf32, #tpu.memory_space<vmem>>)
    %add3A_105 = arith.constant 64 : i32
    %add3A_106 = arith.addi %mul3A_2, %add3A_105 : i32
    %dma_start3A_107 = arith.constant 64 : i32
    %dma_start3A_108 = arith.constant 0 : i32
    %dma_start3A_109 = tpu.memref_slice %arg9[%dma_start3A_107, %dma_start3A_108] : memref<128x128xf32, #tpu.memory_space<vmem>> -> memref<64x128xf32, #tpu.memory_space<vmem>>
    %dma_start3A_110 = arith.constant 0 : i32
    %dma_start3A_111 = tpu.memref_slice %arg6[%add3A_106, %dma_start3A_110] : memref<4096x128xf32, #tpu.memory_space<hbm>> -> memref<64x128xf32, #tpu.memory_space<hbm>>
    %dma_start3A_112 = arith.constant 0 : i32
    %dma_start3A_113 = tpu.memref_slice %arg6[%add3A_106, %dma_start3A_112] : memref<4096x128xf32, #tpu.memory_space<hbm>> -> memref<64x128xf32, #tpu.memory_space<hbm>>
    %dma_start3A_114 = arith.constant 64 : i32
    %dma_start3A_115 = arith.constant 0 : i32
    %dma_start3A_116 = tpu.memref_slice %arg9[%dma_start3A_114, %dma_start3A_115] : memref<128x128xf32, #tpu.memory_space<vmem>> -> memref<64x128xf32, #tpu.memory_space<vmem>>
    tpu.enqueue_dma source(%dma_start3A_116 : memref<64x128xf32, #tpu.memory_space<vmem>>) target(%dma_start3A_113 : memref<64x128xf32, #tpu.memory_space<hbm>>) target_semaphore(%arg15 : memref<!tpu.dma_semaphore, #tpu.memory_space<semaphore_mem>>)
    %dma_wait3A_117 = arith.constant 0 : i32
    %dma_wait3A_118 = arith.constant 0 : i32
    %dma_wait3A_119 = tpu.memref_slice %arg11[%dma_wait3A_117, %dma_wait3A_118] : memref<128x128xf32, #tpu.memory_space<vmem>> -> memref<64x128xf32, #tpu.memory_space<vmem>>
    %dma_wait3A_120 = arith.constant 0 : i32
    %dma_wait3A_121 = tpu.memref_slice %arg7[%mul3A_2, %dma_wait3A_120] : memref<4096x128xf32, #tpu.memory_space<hbm>> -> memref<64x128xf32, #tpu.memory_space<hbm>>
    %dma_wait3A_122 = arith.constant 0 : i32
    %dma_wait3A_123 = tpu.memref_slice %arg7[%mul3A_2, %dma_wait3A_122] : memref<4096x128xf32, #tpu.memory_space<hbm>> -> memref<64x128xf32, #tpu.memory_space<hbm>>
    %dma_wait3A_124 = arith.constant 0 : i32
    %dma_wait3A_125 = arith.constant 0 : i32
    %dma_wait3A_126 = tpu.memref_slice %arg11[%dma_wait3A_124, %dma_wait3A_125] : memref<128x128xf32, #tpu.memory_space<vmem>> -> memref<64x128xf32, #tpu.memory_space<vmem>>
    tpu.wait_dma2 semaphore(%arg14 : memref<!tpu.dma_semaphore, #tpu.memory_space<semaphore_mem>>) src(%dma_wait3A_126 : memref<64x128xf32, #tpu.memory_space<vmem>>) dst(%dma_wait3A_123 : memref<64x128xf32, #tpu.memory_space<hbm>>)
    %dma_wait3A_127 = arith.constant 64 : i32
    %dma_wait3A_128 = arith.constant 0 : i32
    %dma_wait3A_129 = tpu.memref_slice %arg11[%dma_wait3A_127, %dma_wait3A_128] : memref<128x128xf32, #tpu.memory_space<vmem>> -> memref<64x128xf32, #tpu.memory_space<vmem>>
    %dma_wait3A_130 = arith.constant 0 : i32
    %dma_wait3A_131 = tpu.memref_slice %arg7[%add3A_68, %dma_wait3A_130] : memref<4096x128xf32, #tpu.memory_space<hbm>> -> memref<64x128xf32, #tpu.memory_space<hbm>>
    %dma_wait3A_132 = arith.constant 0 : i32
    %dma_wait3A_133 = tpu.memref_slice %arg7[%add3A_68, %dma_wait3A_132] : memref<4096x128xf32, #tpu.memory_space<hbm>> -> memref<64x128xf32, #tpu.memory_space<hbm>>
    %dma_wait3A_134 = arith.constant 64 : i32
    %dma_wait3A_135 = arith.constant 0 : i32
    %dma_wait3A_136 = tpu.memref_slice %arg11[%dma_wait3A_134, %dma_wait3A_135] : memref<128x128xf32, #tpu.memory_space<vmem>> -> memref<64x128xf32, #tpu.memory_space<vmem>>
    tpu.wait_dma2 semaphore(%arg15 : memref<!tpu.dma_semaphore, #tpu.memory_space<semaphore_mem>>) src(%dma_wait3A_136 : memref<64x128xf32, #tpu.memory_space<vmem>>) dst(%dma_wait3A_133 : memref<64x128xf32, #tpu.memory_space<hbm>>)
    %dma_wait3A_137 = arith.constant 0 : i32
    %dma_wait3A_138 = arith.constant 0 : i32
    %dma_wait3A_139 = tpu.memref_slice %arg9[%dma_wait3A_137, %dma_wait3A_138] : memref<128x128xf32, #tpu.memory_space<vmem>> -> memref<64x128xf32, #tpu.memory_space<vmem>>
    %dma_wait3A_140 = arith.constant 0 : i32
    %dma_wait3A_141 = tpu.memref_slice %arg6[%mul3A_2, %dma_wait3A_140] : memref<4096x128xf32, #tpu.memory_space<hbm>> -> memref<64x128xf32, #tpu.memory_space<hbm>>
    %dma_wait3A_142 = arith.constant 0 : i32
    %dma_wait3A_143 = tpu.memref_slice %arg6[%mul3A_2, %dma_wait3A_142] : memref<4096x128xf32, #tpu.memory_space<hbm>> -> memref<64x128xf32, #tpu.memory_space<hbm>>
    %dma_wait3A_144 = arith.constant 0 : i32
    %dma_wait3A_145 = arith.constant 0 : i32
    %dma_wait3A_146 = tpu.memref_slice %arg9[%dma_wait3A_144, %dma_wait3A_145] : memref<128x128xf32, #tpu.memory_space<vmem>> -> memref<64x128xf32, #tpu.memory_space<vmem>>
    tpu.wait_dma2 semaphore(%arg14 : memref<!tpu.dma_semaphore, #tpu.memory_space<semaphore_mem>>) src(%dma_wait3A_146 : memref<64x128xf32, #tpu.memory_space<vmem>>) dst(%dma_wait3A_143 : memref<64x128xf32, #tpu.memory_space<hbm>>)
    %dma_wait3A_147 = arith.constant 64 : i32
    %dma_wait3A_148 = arith.constant 0 : i32
    %dma_wait3A_149 = tpu.memref_slice %arg9[%dma_wait3A_147, %dma_wait3A_148] : memref<128x128xf32, #tpu.memory_space<vmem>> -> memref<64x128xf32, #tpu.memory_space<vmem>>
    %dma_wait3A_150 = arith.constant 0 : i32
    %dma_wait3A_151 = tpu.memref_slice %arg6[%add3A_106, %dma_wait3A_150] : memref<4096x128xf32, #tpu.memory_space<hbm>> -> memref<64x128xf32, #tpu.memory_space<hbm>>
    %dma_wait3A_152 = arith.constant 0 : i32
    %dma_wait3A_153 = tpu.memref_slice %arg6[%add3A_106, %dma_wait3A_152] : memref<4096x128xf32, #tpu.memory_space<hbm>> -> memref<64x128xf32, #tpu.memory_space<hbm>>
    %dma_wait3A_154 = arith.constant 64 : i32
    %dma_wait3A_155 = arith.constant 0 : i32
    %dma_wait3A_156 = tpu.memref_slice %arg9[%dma_wait3A_154, %dma_wait3A_155] : memref<128x128xf32, #tpu.memory_space<vmem>> -> memref<64x128xf32, #tpu.memory_space<vmem>>
    tpu.wait_dma2 semaphore(%arg15 : memref<!tpu.dma_semaphore, #tpu.memory_space<semaphore_mem>>) src(%dma_wait3A_156 : memref<64x128xf32, #tpu.memory_space<vmem>>) dst(%dma_wait3A_153 : memref<64x128xf32, #tpu.memory_space<hbm>>)
    return
  }
}

module attributes {stable_mosaic.version = 14 : i64} {
  func.func @_loss_body(%arg0: i32, %arg1: memref<2048x128xf32, #tpu.memory_space<vmem>>, %arg2: memref<4096x128xf32, #tpu.memory_space<vmem>>, %arg3: memref<1x1xf32, #tpu.memory_space<smem>>) attributes {dimension_semantics = [#tpu.dimension_semantics<arbitrary>], iteration_bounds = array<i64: 2>, scalar_prefetch = 0 : i64, scratch_operands = 0 : i64, tpu.core_type = #tpu.core_type<tc>, window_params = [{transform_indices = @transform_0, window_bounds = array<i64: 2048, 128>}, {pipeline_mode = #tpu.pipeline_mode<synchronous>, transform_indices = @transform_1, window_bounds = array<i64: 4096, 128>}, {transform_indices = @transform_2, window_bounds = array<i64: 1, 1>}]} {
    %get3A = arith.constant 0 : index
    %get3A_0 = arith.constant 0 : index
    %get3A_1 = vector.load %arg2[%get3A, %get3A_0] : memref<4096x128xf32, #tpu.memory_space<vmem>>, vector<4096x128xf32>
    %convert_element_type3A = arith.truncf %get3A_1 : vector<4096x128xf32> to vector<4096x128xbf16>
    %get3A_2 = arith.constant 0 : index
    %get3A_3 = arith.constant 0 : index
    %get3A_4 = vector.load %arg1[%get3A_2, %get3A_3] : memref<2048x128xf32, #tpu.memory_space<vmem>>, vector<2048x128xf32>
    %mul3A = arith.constant 1.44269502 : f32
    %mul3A_5 = vector.broadcast %mul3A : f32 to vector<2048x128xf32>
    %mul3A_6 = arith.mulf %get3A_4, %mul3A_5 : vector<2048x128xf32>
    %convert_element_type3A_7 = arith.truncf %mul3A_6 : vector<2048x128xf32> to vector<2048x128xbf16>
    %dot_general3A = arith.constant dense<0.000000e+00> : vector<4096x2048xf32>
    %dot_general3A_8 = tpu.matmul %convert_element_type3A, %convert_element_type3A_7, %dot_general3A {dimension_numbers = #tpu.dot_dimension_numbers<[1], [1], [0], [0], [0, 0, 1, 0], [], []>, transpose_lhs_hint = false} : vector<4096x128xbf16>, vector<2048x128xbf16>, vector<4096x2048xf32> -> vector<4096x2048xf32>
    %exp23A = math.exp2 %dot_general3A_8 : vector<4096x2048xf32>
    %reduce_sum3A = arith.constant dense<0.000000e+00> : vector<2048xf32>
    %reduce_sum3A_9 = vector.multi_reduction <add>, %exp23A, %reduce_sum3A [0] : vector<4096x2048xf32> to vector<2048xf32>
    %mul3A_10 = arith.constant 2048 : i32
    %mul3A_11 = arith.muli %arg0, %mul3A_10 : i32
    %get3A_12 = arith.index_cast %mul3A_11 : i32 to index
    %get3A_13 = arith.constant 0 : index
    %get3A_14 = vector.load %arg2[%get3A_12, %get3A_13] : memref<4096x128xf32, #tpu.memory_space<vmem>>, vector<2048x128xf32>
    %log3A = math.log %reduce_sum3A_9 : vector<2048xf32>
    %reduce_sum3A_15 = vector.shape_cast %log3A : vector<2048xf32> to vector<1x2048xf32>
    %reduce_sum3A_16 = arith.constant dense<0.000000e+00> : vector<1xf32>
    %reduce_sum3A_17 = vector.multi_reduction <add>, %reduce_sum3A_15, %reduce_sum3A_16 [1] : vector<1x2048xf32> to vector<1xf32>
    %reduce_sum3A_18 = vector.shape_cast %reduce_sum3A_17 : vector<1xf32> to vector<1x1xf32>
    %reduce_sum3A_19 = vector.extract %reduce_sum3A_18[0, 0] : f32 from vector<1x1xf32>
    %get3A_20 = arith.constant 0 : index
    %get3A_21 = arith.constant 0 : index
    %get3A_22 = vector.load %arg1[%get3A_20, %get3A_21] : memref<2048x128xf32, #tpu.memory_space<vmem>>, vector<2048x128xf32>
    %mul3A_23 = arith.mulf %get3A_22, %get3A_14 : vector<2048x128xf32>
    %reduce_sum3A_24 = vector.shape_cast %mul3A_23 : vector<2048x128xf32> to vector<1x2048x128xf32>
    %reduce_sum3A_25 = arith.constant dense<0.000000e+00> : vector<1xf32>
    %reduce_sum3A_26 = vector.multi_reduction <add>, %reduce_sum3A_24, %reduce_sum3A_25 [1, 2] : vector<1x2048x128xf32> to vector<1xf32>
    %reduce_sum3A_27 = vector.shape_cast %reduce_sum3A_26 : vector<1xf32> to vector<1x1x1xf32>
    %reduce_sum3A_28 = vector.extract %reduce_sum3A_27[0, 0, 0] : f32 from vector<1x1x1xf32>
    %sub3A = arith.subf %reduce_sum3A_19, %reduce_sum3A_28 : f32
    %eq3A = arith.constant 0 : i32
    %eq3A_29 = arith.cmpi eq, %arg0, %eq3A : i32
    %convert_element_type3A_30 = arith.extui %eq3A_29 : i1 to i32
    %cond3A = arith.constant 0 : i32
    %cond3A_31 = arith.cmpi ne, %convert_element_type3A_30, %cond3A : i32
    scf.if %cond3A_31 {
      %swap3A_37 = arith.constant 0.000000e+00 : f32
      %swap3A_38 = arith.constant 0 : index
      %swap3A_39 = arith.constant 0 : index
      %swap3A_40 = memref.load %arg3[%swap3A_38, %swap3A_39] : memref<1x1xf32, #tpu.memory_space<smem>>
      memref.store %swap3A_37, %arg3[%swap3A_38, %swap3A_39] : memref<1x1xf32, #tpu.memory_space<smem>>
    } else {
    }
    %get3A_32 = arith.constant 0 : index
    %get3A_33 = arith.constant 0 : index
    %get3A_34 = memref.load %arg3[%get3A_32, %get3A_33] : memref<1x1xf32, #tpu.memory_space<smem>>
    %add3A = arith.addf %get3A_34, %sub3A : f32
    %swap3A = arith.constant 0 : index
    %swap3A_35 = arith.constant 0 : index
    %swap3A_36 = memref.load %arg3[%swap3A, %swap3A_35] : memref<1x1xf32, #tpu.memory_space<smem>>
    memref.store %add3A, %arg3[%swap3A, %swap3A_35] : memref<1x1xf32, #tpu.memory_space<smem>>
    return
  }
  func.func @transform_0(%arg0: i32) -> (i32, i32) {
    %c0_i32 = arith.constant 0 : i32
    %c0_i32_0 = arith.constant 0 : i32
    return %arg0, %c0_i32 : i32, i32
  }
  func.func @transform_1(%arg0: i32) -> (i32, i32) {
    %c0_i32 = arith.constant 0 : i32
    %c0_i32_0 = arith.constant 0 : i32
    %c0_i32_1 = arith.constant 0 : i32
    return %c0_i32, %c0_i32_0 : i32, i32
  }
  func.func @transform_2(%arg0: i32) -> (i32, i32) {
    %c0_i32 = arith.constant 0 : i32
    %c0_i32_0 = arith.constant 0 : i32
    %c0_i32_1 = arith.constant 0 : i32
    return %c0_i32, %c0_i32_0 : i32, i32
  }
}

</mosaic_0001>

<sc_bundles>
// kernel: kernel.4.cloned.1.call-start
scs
__scs_entry_jumppad:
0x0: {  	(pc) =	sbr.rel $0x88, $3  }
0x1: {  	(tag) =	ssettag $0x0;
	lr =	simm.s32 $0x1  }
0x2: {  	[smem:$0x3F9D] =	sst lr;
	_ =	strace $0xD0000000  }
0x3: {  	_ = 	snop  }
0x4: {  	_ = 	snop  }
0x5: {  	_ = 	snop  }
0x6: {  	_ = 	snop  }
0x7: {  	_ = 	snop  }
__scs_overlays_trampoline_lowered:
0x8: {  	[smem:$0x3FAC] =	sst s0  }
0x9: {  	[smem:$0x3FAD] =	sst s1  }
0xa: {  	[smem:$0x3FAE] =	sst s2  }
0xb: {  	[smem:$0x3FAF] =	sst s3  }
0xc: {  	[smem:$0x3FB0] =	sst s4  }
0xd: {  	[smem:$0x3FB1] =	sst s5  }
0xe: {  	[smem:$0x3FB2] =	sst s6  }
0xf: {  	[smem:$0x3FB3] =	sst s7  }
0x10: {  	[smem:$0x3FB4] =	sst s8  }
0x11: {  	[smem:$0x3FB5] =	sst s9;
	s0 =	simm.s32 @!p0 $0x0  }
0x12: {  	s1 =	sld [smem:$0x3F9B];
	s0 =	simm.s32 @p0 $0x1  }
0x13: {  	[smem:$0x3FB6] =	sst s0;
	s0 =	simm.s32 @!p1 $0x0  }
0x14: {  	s2 =	sld [smem:$0x3F9A];
	s0 =	simm.s32 @p1 $0x1  }
0x15: {  	[smem:$0x3FB7] =	sst s0;
	s0 =	simm.s32 @!p2 $0x0  }
0x16: {  	s3 =	sld [smem:$0x3FDB];
	s0 =	simm.s32 @p2 $0x1  }
0x17: {  	s4 =	simm.s32 $0x1BF5;
	[smem:$0x3FB9] =	sst s0  }
0x18: {  	s0 =	sld [smem:$0x3F9C];
	_ =	swait.ge [sflag:s4], $0x0  }
0x19: {  	s7 =	sld [smem:$0x3F9D]  }
0x1a: {  	s8 =	sadd.s32 $0xFFFFE003, lr  }
0x1b: {  	s9 =	sadd.s32 $0xFFFFFEF7, lr;
	s5 =	simm.s32 $0xFFFFFFFF;
	p2 =	slt.u32 s8, $0xFFFFF086  }
0x1c: {  	p1 =	slt.u32 s9, $0xF7A;
	s5 =	simm.s32 @!p2 $0x0  }
0x1d: {  	s5 =	simm.s32 @p1 $0x1;
	p0 =	seq.s32 s7, s2  }
0x1e: {  	s7 =	smul.u32 @!p0 $0xF7A, s2;
	p2 =	seq.s32 @!p0 s5, $0x0  }
0x1f: {  	s9 =	smul.u32 $0xF7A, s1;
	s8 =	simm.s32 @!p0 $0x1BF5;
	p2 =	por !p2, p0  }
0x20: {  	[sflag:s8] =	ssyncset.s32 @!p0 $0xFFFFF086;
	s6 =	sadd.s32 @!p0 s3, s7;
	s7 =	simm.s32 @!p0 $0x108  }
0x21: {  	s3 =	sadd.s32 s3, s9;
	s6 =	sadd.s32 @!p0 $0x88, s6;
	s7 =	simm.s32 @p2 $0x1082  }
0x22: {  	[simem:s7], [sflag:s8] =	dma.local @!p0 [hbm:s6], $0xF7A  }
0x23: {  	s9 =	sor.u32 $0xD0000000, s2;
	s6 =	simm.s32 $0x108;
	_ =	swait.ge @!p0 [sflag:s8], $0x0  }
0x24: {  	s3 =	sadd.s32 $0x88, s3;
	s6 =	simm.s32 @!p1 $0x1082;
	[sflag:s4] =	ssyncset.s32 $0xFFFFF086  }
0x25: {  	[simem:s6], [sflag:s4] =	dma.local [hbm:s3], $0xF7A  }
0x26: {  	[smem:$0x3F9D] =	sst s1;
	(tag) =	ssettag s2;
	_ =	strace s9  }
0x27: {  	s1 =	sld [smem:$0x3FAD]  }
0x28: {  	s2 =	sld [smem:$0x3FAE]  }
0x29: {  	s4 =	sld [smem:$0x3FB0]  }
0x2a: {  	p0 =	seq.s32 s5, $0x0;
	s5 =	sld [smem:$0x3FB1]  }
0x2b: {  	s6 =	sld [smem:$0x3FB2]  }
0x2c: {  	s7 =	sld [smem:$0x3FB3]  }
0x2d: {  	s3 =	simm.s32 $0x108;
	s8 =	sld [smem:$0x3FB4]  }
0x2e: {  	s3 =	simm.s32 @!p0 $0x1082;
	s9 =	sld [smem:$0x3FB5]  }
0x2f: {  	lr =	sadd.s32 s0, s3;
	s0 =	sld [smem:$0x3FAC]  }
0x30: {  	s3 =	sld [smem:$0x3FAF]  }
0x31: {  	[smem:$0x3FB8] =	sst s10  }
0x32: {  	s10 =	sld [smem:$0x3FB6];
	_ =	sdelay $0x3  }
0x33: {  	p0 =	seq.s32 s10, $0x1;
	s10 =	sld [smem:$0x3FB8];
	_ =	sdelay $0x3  }
0x34: {  	[smem:$0x3FB8] =	sst s10  }
0x35: {  	s10 =	sld [smem:$0x3FB7];
	_ =	sdelay $0x3  }
0x36: {  	p1 =	seq.s32 s10, $0x1;
	s10 =	sld [smem:$0x3FB8];
	_ =	sdelay $0x3  }
0x37: {  	[smem:$0x3FB8] =	sst s10  }
0x38: {  	s10 =	sld [smem:$0x3FB9]  }
0x39: {  	_ = 	snop;
	(pc) =	sbr.ind lr, $3  }
0x3a: {  	_ = 	snop  }
0x3b: {  	_ = 	snop  }
0x3c: {  	p2 =	seq.s32 s10, $0x1;
	s10 =	sld [smem:$0x3FB8]  }
0x3d: {  	_ =	shalt  }
0x3e: {  	_ =	shalt  }
0x3f: {  	_ =	shalt  }
0x40: {  	_ =	shalt  }
0x41: {  	_ =	shalt  }
0x42: {  	_ =	shalt  }
0x43: {  	_ =	shalt  }
0x44: {  	_ =	shalt  }
0x45: {  	_ =	shalt  }
0x46: {  	_ =	shalt  }
0x47: {  	_ =	shalt  }
0x48: {  	_ =	shalt  }
0x49: {  	_ =	shalt  }
0x4a: {  	_ =	shalt  }
0x4b: {  	_ =	shalt  }
0x4c: {  	_ =	shalt  }
0x4d: {  	_ =	shalt  }
0x4e: {  	_ =	shalt  }
0x4f: {  	_ =	shalt  }
0x50: {  	_ =	shalt  }
0x51: {  	_ =	shalt  }
0x52: {  	_ =	shalt  }
0x53: {  	_ =	shalt  }
0x54: {  	_ =	shalt  }
0x55: {  	_ =	shalt  }
0x56: {  	_ =	shalt  }
0x57: {  	_ =	shalt  }
0x58: {  	_ =	shalt  }
0x59: {  	_ =	shalt  }
0x5a: {  	_ =	shalt  }
0x5b: {  	_ =	shalt  }
0x5c: {  	_ =	shalt  }
0x5d: {  	_ =	shalt  }
0x5e: {  	_ =	shalt  }
0x5f: {  	_ =	shalt  }
0x60: {  	_ =	shalt  }
0x61: {  	_ =	shalt  }
0x62: {  	_ =	shalt  }
0x63: {  	_ =	shalt  }
0x64: {  	_ =	shalt  }
0x65: {  	_ =	shalt  }
0x66: {  	_ =	shalt  }
0x67: {  	_ =	shalt  }
0x68: {  	_ =	shalt  }
0x69: {  	_ =	shalt  }
0x6a: {  	_ =	shalt  }
0x6b: {  	_ =	shalt  }
0x6c: {  	_ =	shalt  }
0x6d: {  	_ =	shalt  }
0x6e: {  	_ =	shalt  }
0x6f: {  	_ =	shalt  }
0x70: {  	_ =	shalt  }
0x71: {  	_ =	shalt  }
0x72: {  	_ =	shalt  }
0x73: {  	_ =	shalt  }
0x74: {  	_ =	shalt  }
0x75: {  	_ =	shalt  }
0x76: {  	_ =	shalt  }
0x77: {  	_ =	shalt  }
0x78: {  	_ =	shalt  }
0x79: {  	_ =	shalt  }
0x7a: {  	_ =	shalt  }
0x7b: {  	_ =	shalt  }
0x7c: {  	_ =	shalt  }
0x7d: {  	_ =	shalt  }
0x7e: {  	_ =	shalt  }
0x7f: {  	_ =	shalt  }
0x80: {  	_ =	shalt  }
0x81: {  	_ =	shalt  }
0x82: {  	_ =	shalt  }
0x83: {  	_ =	shalt  }
0x84: {  	_ =	shalt  }
0x85: {  	_ =	shalt  }
0x86: {  	_ =	shalt  }
0x87: {  	_ =	shalt  }
.Lfunc_end0:
.L_simem_size_0:
called_computation_lowered:
.L_overlay_start_0:
0x88: {  	s2 =	sld [smem:$0x3FD9]  }
0x89: {  	s3 =	sld [smem:$0x3FFE];
	_ =	sdelay $0x1  }
0x8a: {  	s1 =	srdreg.scid  }
0x8b: {  	s0 =	sand.u32 $0x1, s1  }
0x8c: {  	s17 =	sshll.u32 s0, $0xA;
	s2 =	sadd.s32 s3, s2  }
0x8d: {  	s2 =	sadd.s32 s2, s17  }
0x8e: {  	[smem:$0x3FC4] =	sst s2  }
0x8f: {  	_ = 	snop  }
0x90: {  	s2 =	sld [smem:$0x3FC9]  }
0x91: {  	s18 =	sld [smem:$0x3FC8]  }
0x92: {  	s4 =	sld [smem:$0x3FC7]  }
0x93: {  	s5 =	sld [smem:$0x3FC6];
	(tm) =	ssettm $0x1  }
0x94: {  	s6 =	sld [smem:$0x3FFB];
	_ =	sdelay $0x3  }
0x95: {  	_ =	strace s6  }
0x96: {  	s6 =	sld [smem:$0x3FFC];
	_ =	sdelay $0x3  }
0x97: {  	_ =	strace s6  }
0x98: {  	s6 =	sld [smem:$0x3FFD];
	_ =	sdelay $0x3  }
0x99: {  	_ =	strace s6  }
0x9a: {  	_ =	strace $0x8FFFFFFF  }
0x9b: {  	s19 =	sld [smem:$0x3FDB];
	_ =	sdelay $0x1  }
0x9c: {  	s7 =	simm.s32 $_scs_section_size  }
0x9d: {  	s8 =	simm.s32 $_size__tile_overlayer_lowered;
	s9 =	simm.s32 $_tile_overlayer_lowered  }
0x9e: {  	s22 =	simm.s32 $0x1BFF;
	s21 =	sshll.u32 s9, $0x1;
	s6 =	sadd.s32 s7, s19  }
0x9f: {  	s10 =	simm.s32 $0x0;
	s20 =	sshll.u32 s8, $0x1;
	s8 =	sadd.s32 s21, s6  }
0xa0: {  	[timem:s10], [sflag:s22] =	dma.local [hbm:s8], s20  }
0xa1: {  	_ =	swait.ge [sflag:s22], s20  }
0xa2: {  	s7 =	ssub.s32 $0x0, s20;
	[sflag:s22] =	ssyncset.done $0x0  }
0xa3: {  	[sflag:s22] =	ssyncadd.s32 s7;
	_ =	sdelay $0x1  }
0xa4: {  	s23 =	simm.s32 $0x1B8B  }
0xa5: {  	_ =	swait.ge [sflag:s23], $0x1  }
0xa6: {  	[sflag:s23] =	ssyncset.done $0x0  }
0xa7: {  	s25 =	simm.s32 $0x1B8E;
	s24 =	sld [smem:$0x3FFE];
	[sflag:s23] =	ssyncadd.s32 $0xFFFFFFFF  }
0xa8: {  	s26 =	simm.s32 $execute0_lowered;
	[smem:$0x3FD2] =	sst s25  }
0xa9: {  	s8 =	sshll.u32 s26, $0x1;
	_ =	strace $0x80000046;
	[dreg:$0x1] =	wrdreg $0xFFFFFFFF  }
0xaa: {  	s28 =	simm.s32 $_size_execute0_lowered;
	s6 =	sadd.s32 s6, s8;
	[dreg:$0x0] =	wrdreg $0x0  }
0xab: {  	s8 =	sshll.u32 s28, $0x1;
	[dreg:$0x2] =	wrdreg s6  }
0xac: {  	[dreg:$0x3] =	wrdreg s8  }
0xad: {  	[dreg:$0x4] =	wrdreg $0xC0  }
0xae: {  	_ =	task [dreg:s10], $0x5FFFF  }
0xaf: {  	[dreg:$0x1] =	wrdreg $0xFFFFFFFF  }
0xb0: {  	[dreg:$0x0] =	wrdreg $0x60  }
0xb1: {  	[dreg:$0x2] =	wrdreg s2  }
0xb2: {  	[dreg:$0x3] =	wrdreg s18  }
0xb3: {  	[dreg:$0x4] =	wrdreg s4  }
0xb4: {  	[dreg:$0x5] =	wrdreg s5  }
0xb5: {  	[dreg:$0x6] =	wrdreg s24  }
0xb6: {  	[dreg:$0x7] =	wrdreg $0x9  }
0xb7: {  	_ =	task.clear_ibuf [dreg:s10], $0x8FFFF;
	_ =	strace $0x90000046  }
0xb8: {  	s29 =	simm.s32 $0x9;
	_ =	strace $0x80000048  }
0xb9: {  	_ =	swait.ge [sflag:s29], $0x1  }
0xba: {  	[sflag:s29] =	ssyncadd.s32 $0xFFFFFFFF  }
0xbb: {  	_ =	strace $0x90000048  }
0xbc: {  	_ =	sfence  }
0xbd: {  	s30 =	sld [smem:$0x0];
	_ =	sdelay $0x2  }
0xbe: {  	s31 =	sshll.u32 s1, $0xD;
	s1 =	sshrl.u32 s1, $0x2  }
0xbf: {  	s3 =	sand.u32 $0x4000, s31;
	s1 =	sadd.s32 s1, s30  }
0xc0: {  	s0 =	sor.u32 s3, s0;
	s1 =	sshll.u32 s1, $0x11  }
0xc1: {  	s0 =	sor.u32 s1, s0  }
0xc2: {  	s0 =	sadd.s32 $0x8F2B, s0  }
0xc3: {  	[sflag:s0] =	ssyncadd.remote.s32 $0x1  }
0xc4: {  	_ =	sfence.sel $0xFFFF  }
0xc5: {  	[dreg:$0x0] =	wrdreg $0xFFFFFFFF;
	(pc) =	sbr.abs _section_cstart, $3  }
0xc6: {  	[dreg:$0x1] =	wrdreg $0xFFFFFFFF  }
0xc7: {  	_ =	task.clear_ibuf [dreg:s10], $0x2FFFF;
	_ =	strace $0x9FFFFFFF  }
0xc8: {  	(tm) =	ssettm $0x7FFFFFFF  }
0xc9: {  	_ =	shalt  }
tec
execute0_lowered:
.L_overlay_start_1:
0x0: {  	(tag) =	ssettag $0x1  }
0x1: {  	s7 =	rddreg [dreg:$0x0]  }
0x2: {  	s5 =	rddreg [dreg:$0x1]  }
0x3: {  	s1 =	rddreg [dreg:$0x2];
	s2 =	srdreg.scid  }
0x4: {  	s3 =	rddreg [dreg:$0x3];
	s0 =	stileid.u32;
	s22 =	sand.u32 $0x1, s2  }
0x5: {  	s20 =	rddreg [dreg:$0x4];
	s6 =	sshll.u32 s0, $0x8;
	s8 =	sshll.u32 s22, $0x7  }
0x6: {  	s4 =	simm.s32 $0x0;
	s2 =	rddreg [dreg:$0x5];
	s17 =	sor.u32 s8, s6  }
0x7: {  	[smem:$0x7FF] =	sst s4;
	s8 =	sshrl.u32 s17, $0x3  }
0x8: {  	_ =	strace $0x80000047;
	s6 =	simm.s32 $0x4080;
	s5 =	sadd.s32 s5, s8  }
0x9: {  	[tilespmem:s6], [sflag:$0x3] =	stream.linear.gather [hbm4b:s5+s4], $0x80, $0x38;
	[tilespmem:$0x8100] =	vst v63  }
0xa: {  	s7 =	sadd.s32 s7, s8;
	s8 =	simm.s32 $0x3  }
0xb: {  	[tilespmem:s4], [sflag:$0x4] =	stream.linear.gather [hbm4b:s7+s4], $0x80, $0x38;
	[tilespmem:$0x8100] =	vst v63  }
0xc: {  	_ =	swait.ge [sflag:s8], $0x80  }
0xd: {  	[sflag:s8] =	ssyncset.done $0x0  }
0xe: {  	s9 =	simm.s32 $0x40;
	s10 =	simm.s32 $0x4100;
	[sflag:s8] =	ssyncadd.s32 $0xFFFFFF80  }
0xf: {  	[tilespmem:s10], [sflag:$0x2] =	stream.indirect.gather [hbm4b:s3+s9], $0x80, s6, s9, $0xb8;
	[tilespmem:$0x8100] =	vst v63  }
0x10: {  	s11 =	simm.s32 $0x40C0;
	s13 =	simm.s32 $0x6100;
	s12 =	simm.s32 $0x4  }
0x11: {  	[tilespmem:s13], [sflag:$0x2] =	stream.indirect.gather [hbm4b:s3+s9], $0x80, s11, s9, $0xb8;
	[tilespmem:$0x8100] =	vst v63  }
0x12: {  	_ =	swait.ge [sflag:s12], $0x80  }
0x13: {  	[sflag:s12] =	ssyncset.done $0x0  }
0x14: {  	s14 =	simm.s32 $0x80;
	[sflag:s12] =	ssyncadd.s32 $0xFFFFFF80  }
0x15: {  	[tilespmem:s14], [sflag:$0x1] =	stream.indirect.gather [hbm4b:s1+s9], $0x80, s4, s9, $0xb8;
	[tilespmem:$0x8100] =	vst v63  }
0x16: {  	s15 =	simm.s32 $0x2080;
	s16 =	simm.s32 $0x2  }
0x17: {  	[tilespmem:s15], [sflag:$0x1] =	stream.indirect.gather [hbm4b:s1+s9], $0x80, s9, s9, $0xb8;
	[tilespmem:$0x8100] =	vst v63  }
0x18: {  	_ =	swait.ge [sflag:s16], $0x2000  }
0x19: {  	s18 =	sadd.s32 $0x10C00, s20;
	s21 =	sshll.u32 s17, $0x4;
	[sflag:s16] =	ssyncset.done $0x0  }
0x1a: {  	s17 =	sadd.s32 s18, s21;
	[sflag:s16] =	ssyncadd.s32 $0xFFFFE000  }
0x1b: {  	[hbm4b:s17+s4] =	stream.linear.scatter [tilespmem:s10], [sflag:$0x3], $0x2000, $0x38;
	[tilespmem:$0x8100] =	vst v63  }
0x1c: {  	_ =	swait.ge [sflag:s16], $0x2000  }
0x1d: {  	s23 =	sor.u32 $0x400, s21;
	[sflag:s16] =	ssyncset.done $0x0  }
0x1e: {  	s19 =	simm.s32 $0x1;
	s18 =	sadd.s32 s18, s23;
	[sflag:s16] =	ssyncadd.s32 $0xFFFFE000  }
0x1f: {  	[hbm4b:s18+s4] =	stream.linear.scatter [tilespmem:s13], [sflag:$0x4], $0x2000, $0x38;
	[tilespmem:$0x8100] =	vst v63  }
0x20: {  	_ =	swait.ge [sflag:s19], $0x2000  }
0x21: {  	s24 =	sadd.s32 $0xC00, s20;
	[sflag:s19] =	ssyncset.done $0x0  }
0x22: {  	s20 =	sadd.s32 s24, s21;
	[sflag:s19] =	ssyncadd.s32 $0xFFFFE000  }
0x23: {  	[hbm4b:s20+s4] =	stream.linear.scatter [tilespmem:s14], [sflag:$0x3], $0x2000, $0x38;
	[tilespmem:$0x8100] =	vst v63  }
0x24: {  	_ =	swait.ge [sflag:s19], $0x2000  }
0x25: {  	[sflag:s19] =	ssyncset.done $0x0  }
0x26: {  	s21 =	sadd.s32 s24, s23;
	[sflag:s19] =	ssyncadd.s32 $0xFFFFE000  }
0x27: {  	[hbm4b:s21+s4] =	stream.linear.scatter [tilespmem:s15], [sflag:$0x4], $0x2000, $0x38;
	[tilespmem:$0x8100] =	vst v63  }
0x28: {  	_ =	swait.ge [sflag:s8], $0x2000  }
0x29: {  	s22 =	ssub.s32 $0x2, s22;
	[sflag:s8] =	ssyncset.done $0x0  }
0x2a: {  	s31 =	sshrl.u32 s22, $0x1;
	[sflag:s8] =	ssyncadd.s32 $0xFFFFE000  }
0x2b: {  	s22 =	ssub.s32 s22, s31;
	_ =	swait.ge [sflag:s12], $0x2000  }
0x2c: {  	s22 =	smax.u32 s22, $0x1;
	[sflag:s12] =	ssyncset.done $0x0  }
0x2d: {  	p0 =	sne.s32 s22, $0x1;
	[sflag:s12] =	ssyncadd.s32 $0xFFFFE000  }
.Ltmp0:
0x2e: {  	_ =	swait.ge [sflag:s8], $0x2000;
	(pc) =	sbr.rel @!p0 .LBB2_2-.Ltmp0, $4  }
0x2f: {  	[sflag:s8] =	ssyncset.done $0x0  }
0x30: {  	[sflag:s8] =	ssyncadd.s32 $0xFFFFE000  }
0x31: {  	_ =	swait.ge [sflag:s12], $0x2000  }
0x32: {  	s22 =	sadd.s32 $0xFFFFFFFF, s22;
	[sflag:s12] =	ssyncset.done $0x0  }
.LBB2_1:
0x33: {  	p0 =	sne.s32 s22, $0x1;
	s22 =	sadd.s32 $0xFFFFFFFF, s22;
	[sflag:s12] =	ssyncadd.s32 $0xFFFFE000  }
0x34: {  	[tilespmem:s6], [sflag:$0x3] =	stream.linear.gather [hbm4b:s5+s4], $0x80, $0x38;
	[tilespmem:$0x8100] =	vst v63  }
0x35: {  	_ = 	snop  }
0x36: {  	[tilespmem:s4], [sflag:$0x4] =	stream.linear.gather [hbm4b:s7+s4], $0x80, $0x38;
	[tilespmem:$0x8100] =	vst v63  }
0x37: {  	_ =	swait.ge [sflag:s8], $0x80  }
0x38: {  	[sflag:s8] =	ssyncset.done $0x0  }
0x39: {  	[sflag:s8] =	ssyncadd.s32 $0xFFFFFF80  }
0x3a: {  	[tilespmem:s10], [sflag:$0x2] =	stream.indirect.gather [hbm4b:s3+s9], $0x80, s6, s9, $0xb8;
	[tilespmem:$0x8100] =	vst v63  }
0x3b: {  	_ = 	snop  }
0x3c: {  	[tilespmem:s13], [sflag:$0x2] =	stream.indirect.gather [hbm4b:s3+s9], $0x80, s11, s9, $0xb8;
	[tilespmem:$0x8100] =	vst v63  }
0x3d: {  	_ =	swait.ge [sflag:s12], $0x80  }
0x3e: {  	[sflag:s12] =	ssyncset.done $0x0  }
0x3f: {  	[sflag:s12] =	ssyncadd.s32 $0xFFFFFF80  }
0x40: {  	[tilespmem:s14], [sflag:$0x1] =	stream.indirect.gather [hbm4b:s1+s9], $0x80, s4, s9, $0xb8;
	[tilespmem:$0x8100] =	vst v63  }
0x41: {  	_ = 	snop  }
0x42: {  	[tilespmem:s15], [sflag:$0x1] =	stream.indirect.gather [hbm4b:s1+s9], $0x80, s9, s9, $0xb8;
	[tilespmem:$0x8100] =	vst v63  }
0x43: {  	_ =	swait.ge [sflag:s16], $0x2000  }
0x44: {  	[sflag:s16] =	ssyncset.done $0x0  }
0x45: {  	[sflag:s16] =	ssyncadd.s32 $0xFFFFE000  }
0x46: {  	[hbm4b:s17+s4] =	stream.linear.scatter [tilespmem:s10], [sflag:$0x3], $0x2000, $0x38;
	[tilespmem:$0x8100] =	vst v63  }
0x47: {  	_ =	swait.ge [sflag:s16], $0x2000  }
0x48: {  	[sflag:s16] =	ssyncset.done $0x0  }
0x49: {  	[sflag:s16] =	ssyncadd.s32 $0xFFFFE000  }
0x4a: {  	[hbm4b:s18+s4] =	stream.linear.scatter [tilespmem:s13], [sflag:$0x4], $0x2000, $0x38;
	[tilespmem:$0x8100] =	vst v63  }
0x4b: {  	_ =	swait.ge [sflag:s19], $0x2000  }
0x4c: {  	[sflag:s19] =	ssyncset.done $0x0  }
0x4d: {  	[sflag:s19] =	ssyncadd.s32 $0xFFFFE000  }
0x4e: {  	[hbm4b:s20+s4] =	stream.linear.scatter [tilespmem:s14], [sflag:$0x3], $0x2000, $0x38;
	[tilespmem:$0x8100] =	vst v63  }
0x4f: {  	_ =	swait.ge [sflag:s19], $0x2000  }
0x50: {  	[sflag:s19] =	ssyncset.done $0x0  }
0x51: {  	[sflag:s19] =	ssyncadd.s32 $0xFFFFE000  }
0x52: {  	[hbm4b:s21+s4] =	stream.linear.scatter [tilespmem:s15], [sflag:$0x4], $0x2000, $0x38;
	[tilespmem:$0x8100] =	vst v63  }
0x53: {  	_ =	swait.ge [sflag:s8], $0x2000  }
0x54: {  	[sflag:s8] =	ssyncset.done $0x0  }
0x55: {  	[sflag:s8] =	ssyncadd.s32 $0xFFFFE000  }
0x56: {  	_ =	swait.ge [sflag:s12], $0x2000  }
0x57: {  	[sflag:s12] =	ssyncset.done $0x0  }
0x58: {  	[sflag:s12] =	ssyncadd.s32 $0xFFFFE000  }
.Ltmp1:
0x59: {  	_ =	swait.ge [sflag:s8], $0x2000;
	(pc) =	sbr.rel @p0 .LBB2_1-.Ltmp1, $4  }
0x5a: {  	[sflag:s8] =	ssyncset.done $0x0  }
0x5b: {  	[sflag:s8] =	ssyncadd.s32 $0xFFFFE000  }
0x5c: {  	_ =	swait.ge [sflag:s12], $0x2000  }
0x5d: {  	[sflag:s12] =	ssyncset.done $0x0  }
.LBB2_2:
0x5e: {  	[sflag:s12] =	ssyncadd.s32 $0xFFFFE000  }
0x5f: {  	_ =	sfence.sel $0x180000  }
0x60: {  	[bflag:$0x0] =	sbarrier.arrive $0xFFFF  }
0x61: {  	p0 =	sne.s32 s0, $0x0;
	_ =	strace $0x90000047  }
0x62: {  	s0 =	sadd.s32 @!p0 $0x100000, s2;
	[bflag:$0x2] =	sbarrier.arrive $0xFFFF  }
0x63: {  	[sflag:s0] =	ssyncadd.tile.s32 @!p0 $0x1;
	_ =	shalt  }
.Lfunc_end2:
_tile_overlayer_lowered:
.L_overlay_start_2:
0x64: {  	(tag) =	ssettag $0x2  }
0x65: {  	s0 =	rddreg [dreg:$0x0];
	s2 =	stileid.u32  }
0x66: {  	s1 =	rddreg [dreg:$0x1];
	p0 =	sne.s32 s2, $0x0  }
0x67: {  	s3 =	rddreg [dreg:$0x2];
	[bflag:$0x3] =	sbarrier.arrive $0xFFFF;
	s2 =	simm.s32 @!p0 $0x1C05  }
0x68: {  	[timem:s3], [sflag:s2] =	dma.local @!p0 [hbm:s0], s1  }
0x69: {  	s0 =	simm.s32 @!p0 $0x5  }
0x6a: {  	_ =	swait.ge @!p0 [sflag:s0], s1  }
0x6b: {  	s1 =	ssub.s32 @!p0 $0x0, s1;
	[sflag:s0] =	ssyncset.done @!p0 $0x0  }
0x6c: {  	[sflag:s0] =	ssyncadd.s32 @!p0 s1  }
0x6d: {  	[bflag:$0x3] =	sbarrier.arrive $0xFFFF  }
0x6e: {  	_ =	shalt  }

</sc_bundles>
